<compile_context>
chip_gen: v7x
topology: tpu7x:2x2x1
jax: 0.10.2.dev20260603
libtpu: 0.0.44.dev20260713+nightly
codegen_flags: <defaults>
</compile_context>

<pallas_src>
import functools

import jax
import jax.numpy as jnp
import numpy as np
from jax.experimental import pallas as pl

_RC = 0.25
_S = 27
_CENTER = _S // 2
_BI = 8


def _shift_grid():
    r = np.array([-1, 0, 1])
    g = np.stack(np.meshgrid(r, r, r, indexing="ij"), axis=-1).reshape(-1, 3)
    return jnp.asarray(g, dtype=jnp.float32)


def _pair_kernel(posi_ref, base_ref, base3_ref, sod_ref, vec_ref, *, n, bi):
    ib = pl.program_id(1)
    ls = n * _S
    l3 = n * _S * 3

    posi = posi_ref[...]
    px = posi[:, 0:1]
    py = posi[:, 1:2]
    pz = posi[:, 2:3]

    dx = base_ref[0:1, :] - px
    dy = base_ref[1:2, :] - py
    dz = base_ref[2:3, :] - pz
    sod = dx * dx + dy * dy + dz * dz

    lane = jax.lax.broadcasted_iota(jnp.int32, (1, ls), 1)
    row = ib * bi + jax.lax.broadcasted_iota(jnp.int32, (bi, 1), 0)
    self_lane = row * _S + _CENTER
    mask = (sod < _RC * _RC) & (lane != self_lane)
    sod_ref[...] = jnp.where(mask, sod, 0.0)

    lane3 = jax.lax.broadcasted_iota(jnp.int32, (1, l3), 1)
    grp = lane3 // 3
    cm = lane3 - grp * 3
    pii = jnp.where(cm == 0, px, jnp.where(cm == 1, py, pz))
    v3 = base3_ref[0:1, :] - pii

    sq = v3 * v3
    rm1 = jnp.roll(sq, -1, 1)
    rm2 = jnp.roll(sq, -2, 1)
    rp1 = jnp.roll(sq, 1, 1)
    rp2 = jnp.roll(sq, 2, 1)
    s0 = sq + rm1 + rm2
    s1 = rp1 + sq + rm1
    s2 = rp2 + rp1 + sq
    sod3 = jnp.where(cm == 0, s0, jnp.where(cm == 1, s1, s2))

    mask3 = (sod3 < _RC * _RC) & (grp != self_lane)
    vec_ref[...] = jnp.where(mask3, v3, 0.0)


@jax.jit
def kernel(pos, cel, pbc, ent):
    B, N, _ = pos.shape
    f32 = jnp.float32
    sft = _shift_grid()
    sft_xyz = jnp.einsum("sc,bcd->bsd", sft, cel)
    valid = jnp.all(pbc[:, None, :] | (sft[None, :, :] == 0), axis=-1)

    s_off = (65536.0 * (jnp.arange(_S, dtype=f32) + 1.0))[None, :, None]
    sft_eff = sft_xyz + jnp.where(valid[..., None], 0.0, s_off)
    entf = (~ent).astype(f32)[..., None]
    posj_eff = pos + entf * 4096.0
    posi_eff = pos - entf * 16777216.0

    base = posj_eff[:, :, None, :] + sft_eff[:, None, :, :]
    base_t = jnp.stack(
        [base[..., c].reshape(B, N * _S) for c in range(3)], axis=1
    )
    base3 = base.reshape(B, 1, N * _S * 3)

    grid = (B, N // _BI)
    sod_flat, vec_flat = pl.pallas_call(
        functools.partial(_pair_kernel, n=N, bi=_BI),
        grid=grid,
        in_specs=[
            pl.BlockSpec((None, _BI, 3), lambda b, i: (b, i, 0)),
            pl.BlockSpec((None, 3, N * _S), lambda b, i: (b, 0, 0)),
            pl.BlockSpec((None, 1, N * _S * 3), lambda b, i: (b, 0, 0)),
        ],
        out_specs=[
            pl.BlockSpec((None, _BI, N * _S), lambda b, i: (b, i, 0)),
            pl.BlockSpec((None, _BI, N * _S * 3), lambda b, i: (b, i, 0)),
        ],
        out_shape=[
            jax.ShapeDtypeStruct((B, N, N * _S), f32),
            jax.ShapeDtypeStruct((B, N, N * _S * 3), f32),
        ],
    )(posi_eff, base_t, base3)

    vec = vec_flat.reshape(B, N, N, _S, 3)
    sod = sod_flat.reshape(B, N, N, _S)
    return vec, sod

# --- scband reference (transcript-rebuilt; emitter-appended) ---
"""Pipeline reference for scband-coo2-ful-pnt-sft-28114855919724 (READ-ONLY COPY).

The authoritative reference and input builder live on the scoring server;
editing this copy changes nothing except your own understanding.
"""

import jax, jax.numpy as jnp
import numpy as np

RC = 0.25


def _shifts():
    r = np.array([-1, 0, 1])
    g = np.stack(np.meshgrid(r, r, r, indexing='ij'), axis=-1).reshape(-1, 3)
    return jnp.asarray(g, dtype=jnp.float32)


def setup_inputs(seed: int = 0) -> dict:
    key = jax.random.key(seed)
    k1, = jax.random.split(key, 1)
    B, N = 2, 512
    pos = jax.random.uniform(k1, (B, N, 3), dtype=jnp.float32)
    # cell matrix: identity (unit cubic cell), per-batch
    cel = jnp.broadcast_to(jnp.eye(3, dtype=jnp.float32), (B, 3, 3))
    pbc = jnp.ones((B, 3), dtype=bool)
    ent = jnp.ones((B, N), dtype=bool)
    return {"pos": pos, "cel": cel, "pbc": pbc, "ent": ent}


def reference(pos, cel, pbc, ent):
    # Faithful jax translation of coo2_ful_pntsft: full neighbor adjacency
    # with periodic point shifts, within cutoff rc. PntExp is decomposed into
    # (pos, cel, pbc, ent). Output is the dense-masked VecSodAdj equivalent:
    # vec (pair displacement vectors) and sod (square of distance), with
    # entries outside the cutoff / invalid pairs zeroed (fixed-shape analogue
    # of the COO compaction so the reference is jit/vjp friendly).
    B, N, _ = pos.shape
    sft = _shifts()                     # [S, 3] cell-coordinate shifts
    S = sft.shape[0]
    # shifts along non-periodic dims must be zero
    valid_sft = jnp.all(pbc[:, None, :] | (sft[None, :, :] == 0), axis=-1)  # [B, S]
    sft_xyz = jnp.einsum('sc,bcd->bsd', sft, cel)                           # [B, S, 3]
    # vec[b, i, j, s] = pos[b, j] + shift_xyz[b, s] - pos[b, i]
    vec = pos[:, None, :, None, :] + sft_xyz[:, None, None, :, :] - pos[:, :, None, None, :]  # [B, N, N, S, 3]
    sod = jnp.sum(vec * vec, axis=-1)                                       # [B, N, N, S]
    center = S // 2  # index of the (0,0,0) shift
    self_mask = (jnp.eye(N, dtype=bool)[None, :, :, None]
                 & (jnp.arange(S) == center)[None, None, None, :])
    ent_pair = ent[:, :, None] & ent[:, None, :]
    mask = ((sod < RC * RC)
            & (~self_mask)
            & ent_pair[:, :, :, None]
            & valid_sft[:, None, None, :])
    sod_m = jnp.where(mask, sod, 0.0)
    vec_m = jnp.where(mask[..., None], vec, 0.0)
    return vec_m, sod_m

if __name__ == "__main__":
    import jax
    _d = setup_inputs()
    print(jax.jit(kernel)(*tuple(_d.values())))

</pallas_src>

<mosaic_0001>
module attributes {stable_mosaic.version = 14 : i64} {
  func.func @_pair_kernel(%arg0: i32, %arg1: i32, %arg2: memref<1x8x3xf32, #tpu.memory_space<vmem>>, %arg3: memref<1x3x13824xf32, #tpu.memory_space<vmem>>, %arg4: memref<1x1x41472xf32, #tpu.memory_space<vmem>>, %arg5: memref<1x8x13824xf32, #tpu.memory_space<vmem>>, %arg6: memref<1x8x41472xf32, #tpu.memory_space<vmem>>) attributes {dimension_semantics = [#tpu.dimension_semantics<arbitrary>, #tpu.dimension_semantics<arbitrary>], iteration_bounds = array<i64: 2, 64>, scalar_prefetch = 0 : i64, scratch_operands = 0 : i64, tpu.core_type = #tpu.core_type<tc>, window_params = [{transform_indices = @transform_0, window_bounds = array<i64: 1, 8, 3>}, {transform_indices = @transform_1, window_bounds = array<i64: 1, 3, 13824>}, {transform_indices = @transform_2, window_bounds = array<i64: 1, 1, 41472>}, {transform_indices = @transform_3, window_bounds = array<i64: 1, 8, 13824>}, {transform_indices = @transform_4, window_bounds = array<i64: 1, 8, 41472>}]} {
    %get3A = arith.constant 0 : index
    %get3A_0 = arith.constant 0 : index
    %get3A_1 = arith.constant 0 : index
    %get3A_2 = vector.load %arg2[%get3A, %get3A_0, %get3A_1] : memref<1x8x3xf32, #tpu.memory_space<vmem>>, vector<1x8x3xf32>
    %get3A_3 = vector.shape_cast %get3A_2 : vector<1x8x3xf32> to vector<8x3xf32>
    %slice3A = vector.extract_strided_slice %get3A_3 {offsets = [0, 0], sizes = [8, 1], strides = [1, 1]} : vector<8x3xf32> to vector<8x1xf32>
    %slice3A_4 = vector.extract_strided_slice %get3A_3 {offsets = [0, 1], sizes = [8, 1], strides = [1, 1]} : vector<8x3xf32> to vector<8x1xf32>
    %slice3A_5 = vector.extract_strided_slice %get3A_3 {offsets = [0, 2], sizes = [8, 1], strides = [1, 1]} : vector<8x3xf32> to vector<8x1xf32>
    %get3A_6 = arith.constant 0 : index
    %get3A_7 = arith.constant 0 : index
    %get3A_8 = arith.constant 0 : index
    %get3A_9 = vector.load %arg3[%get3A_6, %get3A_7, %get3A_8] : memref<1x3x13824xf32, #tpu.memory_space<vmem>>, vector<1x1x13824xf32>
    %get3A_10 = vector.shape_cast %get3A_9 : vector<1x1x13824xf32> to vector<1x13824xf32>
    %sub3A = vector.broadcast %get3A_10 : vector<1x13824xf32> to vector<8x13824xf32>
    %sub3A_11 = vector.broadcast %slice3A : vector<8x1xf32> to vector<8x13824xf32>
    %sub3A_12 = arith.subf %sub3A, %sub3A_11 : vector<8x13824xf32>
    %get3A_13 = arith.constant 0 : index
    %get3A_14 = arith.constant 1 : index
    %get3A_15 = arith.constant 0 : index
    %get3A_16 = vector.load %arg3[%get3A_13, %get3A_14, %get3A_15] : memref<1x3x13824xf32, #tpu.memory_space<vmem>>, vector<1x1x13824xf32>
    %get3A_17 = vector.shape_cast %get3A_16 : vector<1x1x13824xf32> to vector<1x13824xf32>
    %sub3A_18 = vector.broadcast %get3A_17 : vector<1x13824xf32> to vector<8x13824xf32>
    %sub3A_19 = vector.broadcast %slice3A_4 : vector<8x1xf32> to vector<8x13824xf32>
    %sub3A_20 = arith.subf %sub3A_18, %sub3A_19 : vector<8x13824xf32>
    %get3A_21 = arith.constant 0 : index
    %get3A_22 = arith.constant 2 : index
    %get3A_23 = arith.constant 0 : index
    %get3A_24 = vector.load %arg3[%get3A_21, %get3A_22, %get3A_23] : memref<1x3x13824xf32, #tpu.memory_space<vmem>>, vector<1x1x13824xf32>
    %get3A_25 = vector.shape_cast %get3A_24 : vector<1x1x13824xf32> to vector<1x13824xf32>
    %sub3A_26 = vector.broadcast %get3A_25 : vector<1x13824xf32> to vector<8x13824xf32>
    %sub3A_27 = vector.broadcast %slice3A_5 : vector<8x1xf32> to vector<8x13824xf32>
    %sub3A_28 = arith.subf %sub3A_26, %sub3A_27 : vector<8x13824xf32>
    %mul3A = arith.mulf %sub3A_12, %sub3A_12 : vector<8x13824xf32>
    %mul3A_29 = arith.mulf %sub3A_20, %sub3A_20 : vector<8x13824xf32>
    %add3A = arith.addf %mul3A, %mul3A_29 : vector<8x13824xf32>
    %mul3A_30 = arith.mulf %sub3A_28, %sub3A_28 : vector<8x13824xf32>
    %add3A_31 = arith.addf %add3A, %mul3A_30 : vector<8x13824xf32>
    %iota3A = tpu.iota {dimensions = array<i32: 1>} : vector<1x13824xi32>
    %mul3A_32 = arith.constant 8 : i32
    %mul3A_33 = arith.muli %arg1, %mul3A_32 : i32
    %iota3A_34 = tpu.iota {dimensions = array<i32: 0>} : vector<8x1xi32>
    %add3A_35 = vector.broadcast %mul3A_33 : i32 to vector<8x1xi32>
    %add3A_36 = arith.addi %add3A_35, %iota3A_34 : vector<8x1xi32>
    %mul3A_37 = arith.constant 27 : i32
    %mul3A_38 = vector.broadcast %mul3A_37 : i32 to vector<8x1xi32>
    %mul3A_39 = arith.muli %add3A_36, %mul3A_38 : vector<8x1xi32>
    %add3A_40 = arith.constant 13 : i32
    %add3A_41 = vector.broadcast %add3A_40 : i32 to vector<8x1xi32>
    %add3A_42 = arith.addi %mul3A_39, %add3A_41 : vector<8x1xi32>
    %lt3A = arith.constant 6.250000e-02 : f32
    %lt3A_43 = vector.broadcast %lt3A : f32 to vector<8x13824xf32>
    %lt3A_44 = arith.cmpf olt, %add3A_31, %lt3A_43 : vector<8x13824xf32>
    %ne3A = vector.broadcast %iota3A : vector<1x13824xi32> to vector<8x13824xi32>
    %ne3A_45 = vector.broadcast %add3A_42 : vector<8x1xi32> to vector<8x13824xi32>
    %ne3A_46 = arith.cmpi ne, %ne3A, %ne3A_45 : vector<8x13824xi32>
    %and3A = arith.andi %lt3A_44, %ne3A_46 : vector<8x13824xi1>
    %jit3A = arith.constant 0.000000e+00 : f32
    %broadcast_in_dim3A = vector.broadcast %jit3A : f32 to vector<8x13824xf32>
    %select_n3A = arith.select %and3A, %add3A_31, %broadcast_in_dim3A : vector<8x13824xi1>, vector<8x13824xf32>
    %swap3A = arith.constant 0 : index
    %swap3A_47 = arith.constant 0 : index
    %swap3A_48 = arith.constant 0 : index
    %swap3A_49 = vector.load %arg5[%swap3A, %swap3A_47, %swap3A_48] : memref<1x8x13824xf32, #tpu.memory_space<vmem>>, vector<1x8x13824xf32>
    %swap3A_50 = vector.shape_cast %swap3A_49 : vector<1x8x13824xf32> to vector<8x13824xf32>
    %swap3A_51 = vector.shape_cast %select_n3A : vector<8x13824xf32> to vector<1x8x13824xf32>
    tpu.vector_store %arg5[%swap3A, %swap3A_47, %swap3A_48], %swap3A_51 {strides = array<i32>} : memref<1x8x13824xf32, #tpu.memory_space<vmem>>, vector<1x8x13824xf32>,
    %iota3A_52 = tpu.iota {dimensions = array<i32: 1>} : vector<1x41472xi32>
    %jit3A_53 = arith.constant 3 : i32
    %div3A = vector.broadcast %jit3A_53 : i32 to vector<1x41472xi32>
    %div3A_54 = arith.divsi %iota3A_52, %div3A : vector<1x41472xi32>
    %sign3A = arith.constant 0 : i32
    %sign3A_55 = vector.broadcast %sign3A : i32 to vector<1x41472xi32>
    %sign3A_56 = arith.cmpi sgt, %iota3A_52, %sign3A_55 : vector<1x41472xi32>
    %sign3A_57 = arith.extui %sign3A_56 : vector<1x41472xi1> to vector<1x41472xi32>
    %sign3A_58 = arith.constant 0 : i32
    %sign3A_59 = vector.broadcast %sign3A_58 : i32 to vector<1x41472xi32>
    %sign3A_60 = arith.cmpi slt, %iota3A_52, %sign3A_59 : vector<1x41472xi32>
    %sign3A_61 = arith.extui %sign3A_60 : vector<1x41472xi1> to vector<1x41472xi32>
    %sign3A_62 = arith.subi %sign3A_57, %sign3A_61 : vector<1x41472xi32>
    %sign3A_63 = arith.constant 0 : i32
    %sign3A_64 = arith.cmpi sgt, %jit3A_53, %sign3A_63 : i32
    %sign3A_65 = arith.extui %sign3A_64 : i1 to i32
    %sign3A_66 = arith.constant 0 : i32
    %sign3A_67 = arith.cmpi slt, %jit3A_53, %sign3A_66 : i32
    %sign3A_68 = arith.extui %sign3A_67 : i1 to i32
    %sign3A_69 = arith.subi %sign3A_65, %sign3A_68 : i32
    %ne3A_70 = vector.broadcast %sign3A_69 : i32 to vector<1x41472xi32>
    %ne3A_71 = arith.cmpi ne, %sign3A_62, %ne3A_70 : vector<1x41472xi32>
    %rem3A = vector.broadcast %jit3A_53 : i32 to vector<1x41472xi32>
    %rem3A_72 = arith.remsi %iota3A_52, %rem3A : vector<1x41472xi32>
    %ne3A_73 = arith.constant 0 : i32
    %ne3A_74 = vector.broadcast %ne3A_73 : i32 to vector<1x41472xi32>
    %ne3A_75 = arith.cmpi ne, %rem3A_72, %ne3A_74 : vector<1x41472xi32>
    %and3A_76 = arith.andi %ne3A_71, %ne3A_75 : vector<1x41472xi1>
    %sub3A_77 = arith.constant 1 : i32
    %sub3A_78 = vector.broadcast %sub3A_77 : i32 to vector<1x41472xi32>
    %sub3A_79 = arith.subi %div3A_54, %sub3A_78 : vector<1x41472xi32>
    %select_n3A_80 = arith.select %and3A_76, %sub3A_79, %div3A_54 : vector<1x41472xi1>, vector<1x41472xi32>
    %mul3A_81 = arith.constant 3 : i32
    %mul3A_82 = vector.broadcast %mul3A_81 : i32 to vector<1x41472xi32>
    %mul3A_83 = arith.muli %select_n3A_80, %mul3A_82 : vector<1x41472xi32>
    %sub3A_84 = arith.subi %iota3A_52, %mul3A_83 : vector<1x41472xi32>
    %eq3A = arith.constant 0 : i32
    %eq3A_85 = vector.broadcast %eq3A : i32 to vector<1x41472xi32>
    %eq3A_86 = arith.cmpi eq, %sub3A_84, %eq3A_85 : vector<1x41472xi32>
    %eq3A_87 = arith.constant 1 : i32
    %eq3A_88 = vector.broadcast %eq3A_87 : i32 to vector<1x41472xi32>
    %eq3A_89 = arith.cmpi eq, %sub3A_84, %eq3A_88 : vector<1x41472xi32>
    %broadcast_in_dim3A_90 = vector.shape_cast %eq3A_89 : vector<1x41472xi1> to vector<1x41472xi1>
    %broadcast_in_dim3A_91 = vector.broadcast %broadcast_in_dim3A_90 : vector<1x41472xi1> to vector<8x41472xi1>
    %broadcast_in_dim3A_92 = vector.shape_cast %slice3A_4 : vector<8x1xf32> to vector<8x1xf32>
    %broadcast_in_dim3A_93 = vector.broadcast %broadcast_in_dim3A_92 : vector<8x1xf32> to vector<8x41472xf32>
    %broadcast_in_dim3A_94 = vector.shape_cast %slice3A_5 : vector<8x1xf32> to vector<8x1xf32>
    %broadcast_in_dim3A_95 = vector.broadcast %broadcast_in_dim3A_94 : vector<8x1xf32> to vector<8x41472xf32>
    %select_n3A_96 = arith.select %broadcast_in_dim3A_91, %broadcast_in_dim3A_93, %broadcast_in_dim3A_95 : vector<8x41472xi1>, vector<8x41472xf32>
    %broadcast_in_dim3A_97 = vector.shape_cast %eq3A_86 : vector<1x41472xi1> to vector<1x41472xi1>
    %broadcast_in_dim3A_98 = vector.broadcast %broadcast_in_dim3A_97 : vector<1x41472xi1> to vector<8x41472xi1>
    %broadcast_in_dim3A_99 = vector.shape_cast %slice3A : vector<8x1xf32> to vector<8x1xf32>
    %broadcast_in_dim3A_100 = vector.broadcast %broadcast_in_dim3A_99 : vector<8x1xf32> to vector<8x41472xf32>
    %select_n3A_101 = arith.select %broadcast_in_dim3A_98, %broadcast_in_dim3A_100, %select_n3A_96 : vector<8x41472xi1>, vector<8x41472xf32>
    %get3A_102 = arith.constant 0 : index
    %get3A_103 = arith.constant 0 : index
    %get3A_104 = arith.constant 0 : index
    %get3A_105 = vector.load %arg4[%get3A_102, %get3A_103, %get3A_104] : memref<1x1x41472xf32, #tpu.memory_space<vmem>>, vector<1x1x41472xf32>
    %get3A_106 = vector.shape_cast %get3A_105 : vector<1x1x41472xf32> to vector<1x41472xf32>
    %sub3A_107 = vector.broadcast %get3A_106 : vector<1x41472xf32> to vector<8x41472xf32>
    %sub3A_108 = arith.subf %sub3A_107, %select_n3A_101 : vector<8x41472xf32>
    %mul3A_109 = arith.mulf %sub3A_108, %sub3A_108 : vector<8x41472xf32>
    %slice3A_110 = vector.extract_strided_slice %mul3A_109 {offsets = [0, 1], sizes = [8, 41471], strides = [1, 1]} : vector<8x41472xf32> to vector<8x41471xf32>
    %slice3A_111 = vector.extract_strided_slice %mul3A_109 {offsets = [0, 0], sizes = [8, 1], strides = [1, 1]} : vector<8x41472xf32> to vector<8x1xf32>
    %concatenate3A = tpu.concatenate %slice3A_110, %slice3A_111 in 1 : vector<8x41471xf32>, vector<8x1xf32> -> vector<8x41472xf32>
    %slice3A_112 = vector.extract_strided_slice %mul3A_109 {offsets = [0, 2], sizes = [8, 41470], strides = [1, 1]} : vector<8x41472xf32> to vector<8x41470xf32>
    %slice3A_113 = vector.extract_strided_slice %mul3A_109 {offsets = [0, 0], sizes = [8, 2], strides = [1, 1]} : vector<8x41472xf32> to vector<8x2xf32>
    %concatenate3A_114 = tpu.concatenate %slice3A_112, %slice3A_113 in 1 : vector<8x41470xf32>, vector<8x2xf32> -> vector<8x41472xf32>
    %slice3A_115 = vector.extract_strided_slice %mul3A_109 {offsets = [0, 41471], sizes = [8, 1], strides = [1, 1]} : vector<8x41472xf32> to vector<8x1xf32>
    %slice3A_116 = vector.extract_strided_slice %mul3A_109 {offsets = [0, 0], sizes = [8, 41471], strides = [1, 1]} : vector<8x41472xf32> to vector<8x41471xf32>
    %concatenate3A_117 = tpu.concatenate %slice3A_115, %slice3A_116 in 1 : vector<8x1xf32>, vector<8x41471xf32> -> vector<8x41472xf32>
    %slice3A_118 = vector.extract_strided_slice %mul3A_109 {offsets = [0, 41470], sizes = [8, 2], strides = [1, 1]} : vector<8x41472xf32> to vector<8x2xf32>
    %slice3A_119 = vector.extract_strided_slice %mul3A_109 {offsets = [0, 0], sizes = [8, 41470], strides = [1, 1]} : vector<8x41472xf32> to vector<8x41470xf32>
    %concatenate3A_120 = tpu.concatenate %slice3A_118, %slice3A_119 in 1 : vector<8x2xf32>, vector<8x41470xf32> -> vector<8x41472xf32>
    %add3A_121 = arith.addf %mul3A_109, %concatenate3A : vector<8x41472xf32>
    %add3A_122 = arith.addf %add3A_121, %concatenate3A_114 : vector<8x41472xf32>
    %add3A_123 = arith.addf %concatenate3A_117, %mul3A_109 : vector<8x41472xf32>
    %add3A_124 = arith.addf %add3A_123, %concatenate3A : vector<8x41472xf32>
    %add3A_125 = arith.addf %concatenate3A_120, %concatenate3A_117 : vector<8x41472xf32>
    %add3A_126 = arith.addf %add3A_125, %mul3A_109 : vector<8x41472xf32>
    %eq3A_127 = arith.constant 0 : i32
    %eq3A_128 = vector.broadcast %eq3A_127 : i32 to vector<1x41472xi32>
    %eq3A_129 = arith.cmpi eq, %sub3A_84, %eq3A_128 : vector<1x41472xi32>
    %eq3A_130 = arith.constant 1 : i32
    %eq3A_131 = vector.broadcast %eq3A_130 : i32 to vector<1x41472xi32>
    %eq3A_132 = arith.cmpi eq, %sub3A_84, %eq3A_131 : vector<1x41472xi32>
    %broadcast_in_dim3A_133 = vector.shape_cast %eq3A_132 : vector<1x41472xi1> to vector<1x41472xi1>
    %broadcast_in_dim3A_134 = vector.broadcast %broadcast_in_dim3A_133 : vector<1x41472xi1> to vector<8x41472xi1>
    %select_n3A_135 = arith.select %broadcast_in_dim3A_134, %add3A_124, %add3A_126 : vector<8x41472xi1>, vector<8x41472xf32>
    %broadcast_in_dim3A_136 = vector.shape_cast %eq3A_129 : vector<1x41472xi1> to vector<1x41472xi1>
    %broadcast_in_dim3A_137 = vector.broadcast %broadcast_in_dim3A_136 : vector<1x41472xi1> to vector<8x41472xi1>
    %select_n3A_138 = arith.select %broadcast_in_dim3A_137, %add3A_122, %select_n3A_135 : vector<8x41472xi1>, vector<8x41472xf32>
    %lt3A_139 = arith.constant 6.250000e-02 : f32
    %lt3A_140 = vector.broadcast %lt3A_139 : f32 to vector<8x41472xf32>
    %lt3A_141 = arith.cmpf olt, %select_n3A_138, %lt3A_140 : vector<8x41472xf32>
    %ne3A_142 = vector.broadcast %select_n3A_80 : vector<1x41472xi32> to vector<8x41472xi32>
    %ne3A_143 = vector.broadcast %add3A_42 : vector<8x1xi32> to vector<8x41472xi32>
    %ne3A_144 = arith.cmpi ne, %ne3A_142, %ne3A_143 : vector<8x41472xi32>
    %and3A_145 = arith.andi %lt3A_141, %ne3A_144 : vector<8x41472xi1>
    %jit3A_146 = arith.constant 0.000000e+00 : f32
    %broadcast_in_dim3A_147 = vector.broadcast %jit3A_146 : f32 to vector<8x41472xf32>
    %select_n3A_148 = arith.select %and3A_145, %sub3A_108, %broadcast_in_dim3A_147 : vector<8x41472xi1>, vector<8x41472xf32>
    %swap3A_149 = arith.constant 0 : index
    %swap3A_150 = arith.constant 0 : index
    %swap3A_151 = arith.constant 0 : index
    %swap3A_152 = vector.load %arg6[%swap3A_149, %swap3A_150, %swap3A_151] : memref<1x8x41472xf32, #tpu.memory_space<vmem>>, vector<1x8x41472xf32>
    %swap3A_153 = vector.shape_cast %swap3A_152 : vector<1x8x41472xf32> to vector<8x41472xf32>
    %swap3A_154 = vector.shape_cast %select_n3A_148 : vector<8x41472xf32> to vector<1x8x41472xf32>
    tpu.vector_store %arg6[%swap3A_149, %swap3A_150, %swap3A_151], %swap3A_154 {strides = array<i32>} : memref<1x8x41472xf32, #tpu.memory_space<vmem>>, vector<1x8x41472xf32>,
    return
  }
  func.func @transform_0(%arg0: i32, %arg1: i32) -> (i32, i32, i32) {
    %c0_i32 = arith.constant 0 : i32
    %c0_i32_0 = arith.constant 0 : i32
    return %arg0, %arg1, %c0_i32 : i32, i32, i32
  }
  func.func @transform_1(%arg0: i32, %arg1: i32) -> (i32, i32, i32) {
    %c0_i32 = arith.constant 0 : i32
    %c0_i32_0 = arith.constant 0 : i32
    %c0_i32_1 = arith.constant 0 : i32
    return %arg0, %c0_i32, %c0_i32_0 : i32, i32, i32
  }
  func.func @transform_2(%arg0: i32, %arg1: i32) -> (i32, i32, i32) {
    %c0_i32 = arith.constant 0 : i32
    %c0_i32_0 = arith.constant 0 : i32
    %c0_i32_1 = arith.constant 0 : i32
    return %arg0, %c0_i32, %c0_i32_0 : i32, i32, i32
  }
  func.func @transform_3(%arg0: i32, %arg1: i32) -> (i32, i32, i32) {
    %c0_i32 = arith.constant 0 : i32
    %c0_i32_0 = arith.constant 0 : i32
    return %arg0, %arg1, %c0_i32 : i32, i32, i32
  }
  func.func @transform_4(%arg0: i32, %arg1: i32) -> (i32, i32, i32) {
    %c0_i32 = arith.constant 0 : i32
    %c0_i32_0 = arith.constant 0 : i32
    return %arg0, %arg1, %c0_i32 : i32, i32, i32
  }
}

</mosaic_0001>

<sc_bundles>
// kernel: sparse-core-data-format-call.1.cloned.1.call-start
scs
called_computation.1_lowered:
.L_overlay_start_0:
0x0: {  	s2 =	sld [smem:$0x3FD9]  }
0x1: {  	s3 =	sld [smem:$0x3FFE];
	_ =	sdelay $0x1  }
0x2: {  	s1 =	srdreg.scid  }
0x3: {  	s0 =	sand.u32 $0x1, s1  }
0x4: {  	s16 =	sshll.u32 s0, $0xA;
	s2 =	sadd.s32 s3, s2  }
0x5: {  	s2 =	sadd.s32 s2, s16  }
0x6: {  	[smem:$0x3FC4] =	sst s2  }
0x7: {  	_ = 	snop  }
0x8: {  	s2 =	sld [smem:$0x3FD0];
	_ =	sdelay $0x2  }
0x9: {  	s17 =	simm.s32 $0xB;
	s4 =	simm.s32 $0x10  }
0xa: {  	[smem:s4], [sflag:s17] =	dma.local [hbm:s2], $0x1  }
0xb: {  	_ =	swait.eq [sflag:s17], $0x1  }
0xc: {  	[sflag:s17] =	ssyncset.done $0x0  }
0xd: {  	[sflag:s17] =	ssyncadd.s32 $0xFFFFFFFF  }
0xe: {  	s18 =	sld [smem:$0x10];
	(tm) =	ssettm $0x1  }
0xf: {  	s19 =	sld [smem:$0x3FFB];
	_ =	sdelay $0x3  }
0x10: {  	_ =	strace s19  }
0x11: {  	s2 =	sld [smem:$0x3FFC];
	_ =	sdelay $0x3  }
0x12: {  	_ =	strace s2  }
0x13: {  	s2 =	sld [smem:$0x3FFD];
	_ =	sdelay $0x3  }
0x14: {  	_ =	strace s2  }
0x15: {  	_ =	strace $0x8FFFFFFF  }
0x16: {  	s20 =	sld [smem:$0x3FDB];
	_ =	sdelay $0x1  }
0x17: {  	s21 =	simm.s32 $_scs_section_size  }
0x18: {  	s5 =	simm.s32 $_size__tile_overlayer_lowered;
	s6 =	simm.s32 $_tile_overlayer_lowered  }
0x19: {  	s7 =	simm.s32 $0x1BFF;
	s22 =	sshll.u32 s6, $0x1;
	s4 =	sadd.s32 s21, s20  }
0x1a: {  	s23 =	simm.s32 $0x0;
	s5 =	sshll.u32 s5, $0x1;
	s6 =	sadd.s32 s22, s4  }
0x1b: {  	[timem:s23], [sflag:s7] =	dma.local [hbm:s6], s5  }
0x1c: {  	_ =	swait.ge [sflag:s7], s5  }
0x1d: {  	s5 =	ssub.s32 $0x0, s5;
	[sflag:s7] =	ssyncset.done $0x0  }
0x1e: {  	[sflag:s7] =	ssyncadd.s32 s5;
	_ =	sdelay $0x1  }
0x1f: {  	s24 =	simm.s32 $0x1B8B  }
0x20: {  	_ =	swait.ge [sflag:s24], $0x1  }
0x21: {  	[sflag:s24] =	ssyncset.done $0x0  }
0x22: {  	[sflag:s24] =	ssyncadd.s32 $0xFFFFFFFF  }
0x23: {  	s5 =	sld [smem:$0x0]  }
0x24: {  	s6 =	sand.u32 $0xFFFFFFFE, s1  }
0x25: {  	p0 =	sne.s32 s1, s6  }
0x26: {  	s6 =	sshll.u32 @p0 s6, $0xE  }
0x27: {  	s6 =	sadd.s32 @p0 $0x11B8D, s6;
	s7 =	sshll.u32 @p0 s5, $0x11  }
0x28: {  	s6 =	sor.u32 @p0 s7, s6  }
0x29: {  	[sflag:s6] =	ssyncadd.remote.s32 @p0 $0x1;
	_ =	sdelay $0x1  }
0x2a: {  	s6 =	simm.s32 @p0 $0x1B8D  }
0x2b: {  	_ =	swait.eq @p0 [sflag:s6], $0x1  }
0x2c: {  	[sflag:s6] =	ssyncadd.s32 @p0 $0xFFFFFFFF  }
0x2d: {  	s7 =	sshll.u32 @!p0 s1, $0xE  }
0x2e: {  	s7 =	sor.u32 @!p0 $0x4000, s7;
	s6 =	simm.s32 @!p0 $0x1B8D  }
0x2f: {  	s5 =	sshll.u32 @!p0 s5, $0x11;
	s7 =	sadd.s32 @!p0 $0x11B8D, s7;
	_ =	swait.eq @!p0 [sflag:s6], $0x1  }
0x30: {  	s5 =	sor.u32 @!p0 s5, s7;
	[sflag:s6] =	ssyncadd.s32 @!p0 $0xFFFFFFFF  }
0x31: {  	s26 =	simm.s32 $0x1B8E;
	s25 =	sld [smem:$0x3FFE];
	[sflag:s5] =	ssyncadd.remote.s32 @!p0 $0x1  }
0x32: {  	s27 =	simm.s32 $execute0_lowered;
	[smem:$0x3FD2] =	sst s26  }
0x33: {  	s6 =	sshll.u32 s27, $0x1;
	_ =	strace $0x80000049;
	[dreg:$0x1] =	wrdreg $0xFFFFFFFF  }
0x34: {  	s28 =	simm.s32 $_size_execute0_lowered;
	s4 =	sadd.s32 s4, s6;
	[dreg:$0x0] =	wrdreg $0x0  }
0x35: {  	s6 =	sshll.u32 s28, $0x1;
	[dreg:$0x2] =	wrdreg s4  }
0x36: {  	[dreg:$0x3] =	wrdreg s6  }
0x37: {  	[dreg:$0x4] =	wrdreg $0xC0  }
0x38: {  	_ =	task [dreg:s23], $0x5FFFF  }
0x39: {  	[dreg:$0x1] =	wrdreg $0xFFFFFFFF  }
0x3a: {  	[dreg:$0x0] =	wrdreg $0x60  }
0x3b: {  	[dreg:$0x2] =	wrdreg s25  }
0x3c: {  	[dreg:$0x3] =	wrdreg s18  }
0x3d: {  	[dreg:$0x4] =	wrdreg $0xA  }
0x3e: {  	_ =	task.clear_ibuf [dreg:s23], $0x5FFFF;
	_ =	strace $0x90000049  }
0x3f: {  	s29 =	simm.s32 $0xA;
	_ =	strace $0x8000004B  }
0x40: {  	_ =	swait.ge [sflag:s29], $0x1  }
0x41: {  	[sflag:s29] =	ssyncadd.s32 $0xFFFFFFFF  }
0x42: {  	_ =	strace $0x9000004B  }
0x43: {  	_ =	sfence  }
0x44: {  	s30 =	sld [smem:$0x0];
	_ =	sdelay $0x2  }
0x45: {  	s31 =	sshll.u32 s1, $0xD;
	s1 =	sshrl.u32 s1, $0x2  }
0x46: {  	s4 =	sand.u32 $0x4000, s31;
	s1 =	sadd.s32 s1, s30  }
0x47: {  	s0 =	sor.u32 s4, s0;
	s1 =	sshll.u32 s1, $0x11  }
0x48: {  	s0 =	sor.u32 s1, s0  }
0x49: {  	s0 =	sadd.s32 $0x8F2B, s0  }
0x4a: {  	[sflag:s0] =	ssyncadd.remote.s32 $0x1  }
0x4b: {  	_ =	sfence.sel $0xFFFF  }
0x4c: {  	[dreg:$0x0] =	wrdreg $0xFFFFFFFF;
	(pc) =	sbr.abs _section_cstart, $3  }
0x4d: {  	[dreg:$0x1] =	wrdreg $0xFFFFFFFF  }
0x4e: {  	_ =	task.clear_ibuf [dreg:s23], $0x2FFFF;
	_ =	strace $0x9FFFFFFF  }
0x4f: {  	(tm) =	ssettm $0x7FFFFFFF  }
tec
execute0_lowered:
.L_overlay_start_1:
0x0: {  	(tag) =	ssettag $0x1  }
0x1: {  	s7 =	rddreg [dreg:$0x0]  }
0x2: {  	s0 =	stileid.u32;
	s2 =	rddreg [dreg:$0x1]  }
0x3: {  	s1 =	rddreg [dreg:$0x2];
	s6 =	srdreg.scid  }
0x4: {  	_ =	strace $0x8000004A;
	s30 =	simm.s32 $0x2;
	s18 =	simm.s32 $0x0  }
0x5: {  	s17 =	simm.s32 $0x0;
	s16 =	simm.s32 $0x0;
	s19 =	simm.s32 $0x0  }
0x6: {  	s15 =	simm.s32 $0x0;
	s3 =	sshll.u32 s0, $0x7;
	s4 =	sshrl.u32 s0, $0x2  }
0x7: {  	s5 =	sshll.u32 s0, $0x4;
	s9 =	sshll.u32 s6, $0x8;
	s3 =	sand.u32 $0x180, s3  }
0x8: {  	s4 =	sand.u32 $0x1, s4;
	s5 =	sor.u32 s5, s9;
	s8 =	ssub.s32 $0x200, s3  }
0x9: {  	s9 =	simm.s32 $0x1;
	s5 =	sand.u32 $0x180, s5;
	s10 =	sand.u32 $0x180, s8  }
0xa: {  	s24 =	ssub.s32 $0x2, s4;
	s8 =	sshrl.u32 s8, $0x9;
	p0 =	sne.s32 s10, $0x0  }
0xb: {  	s25 =	ssub.s32 $0x200, s5;
	s11 =	sshrl.u32 s24, $0x1;
	s9 =	simm.s32 @!p0 $0x0  }
0xc: {  	s12 =	sand.u32 $0x180, s25;
	s8 =	sadd.s32 s9, s8;
	s9 =	sand.u32 $0x1, s24  }
0xd: {  	p0 =	sne.s32 s12, $0x0;
	s9 =	sadd.s32 s9, s11;
	s11 =	simm.s32 $0x1  }
0xe: {  	s10 =	sshrl.u32 s25, $0x9;
	s11 =	simm.s32 @!p0 $0x0;
	s8 =	smul.u32 s8, s9  }
0xf: {  	s14 =	simm.s32 $0x0;
	s6 =	sshll.u32 s6, $0x6;
	s26 =	sadd.s32 s11, s10  }
0x10: {  	s29 =	sshll.u32 s0, $0x2;
	s27 =	sand.u32 $0x40, s6;
	s8 =	smul.u32 s26, s8  }
.Ltmp0:
0x11: {  	s6 =	simm.s32 $0x1;
	s31 =	sand.u32 $0x30, s29;
	(pc) =	sbr.rel .LBB1_1-.Ltmp0, $4  }
0x12: {  	s28 =	sadd.s32 s27, s7;
	[sflag:s6] =	ssyncpa.u1 $0x0;
	s13 =	smov.u32 s3  }
0x13: {  	[sflag:s30] =	ssyncpa.u1 $0x0;
	s12 =	simm.s32 $0x0;
	s7 =	smul.u32 $0x51, s8  }
0x14: {  	p0 =	por $0x0, $0x0;
	s10 =	simm.s32 $0x1000;
	s8 =	sadd.s32 s31, s28  }
0x15: {  	s11 =	simm.s32 $0x0;
	s8 =	sadd.s32 $0x1B0000, s8;
	s9 =	sadd.s32 $0x1, s7  }
.LBB1_4:
0x16: {  	v5 =	vld [tilespmem:s23+$0xFFFFFFD0];
	[tilespmem:s22+$0x2040 ss:$0x81] =	vst.msk $0xffff, v1  }
0x17: {  	v58 =	vld [tilespmem:s23+$0xFFFFFFE0];
	[tilespmem:s22+$0x2850 ss:$0x81] =	vst.msk $0xffff, v2  }
0x18: {  	s24 =	sshra.s32 s24, $0x2;
	v59 =	vld [tilespmem:s23+$0xFFFFFFF0];
	[tilespmem:s22+$0x3060 ss:$0x81] =	vst.msk $0xffff, v3  }
0x19: {  	v60 =	vld [tilespmem:s23+$0x0];
	[tilespmem:s22+$0x0 ss:$0x81] =	vst.msk $0xffff, v0;
	s21 =	sadd.s32 s24, s21  }
0x1a: {  	v61 =	vld [tilespmem:s23+$0x10];
	[tilespmem:s21+$0x3870 ss:$0x81] =	vst.msk $0xffff, v4  }
0x1b: {  	v62 =	vld [tilespmem:s23+$0x20];
	s19 =	smul.u32 $0x18000, s19;
	[tilespmem:s21+$0x810 ss:$0x81] =	vst.msk $0xffff, v5  }
0x1c: {  	v63 =	vld [tilespmem:s23+$0xFFFFFFC0];
	s18 =	sshll.u32 s18, $0x6;
	s29 =	sshrl.u32 s15, $0x3;
	[tilespmem:s21+$0x1020 ss:$0x81] =	vst.msk $0xffff, v58  }
0x1d: {  	s30 =	sand.u32 $0x7F80, s15;
	s22 =	sand.u32 $0xF, s29;
	s19 =	sadd.s32 s2, s19;
	[tilespmem:s21+$0x1830 ss:$0x81] =	vst.msk $0xffff, v59  }
0x1e: {  	s17 =	smul.u32 $0x288000, s17;
	s16 =	sshll.u32 s16, $0xF;
	s19 =	sadd.s32 s22, s19;
	[tilespmem:s21+$0x2040 ss:$0x81] =	vst.msk $0xffff, v60  }
0x1f: {  	s31 =	sand.u32 $0x7, s15;
	s18 =	sadd.s32 s30, s18;
	s16 =	sadd.s32 s16, s19;
	[tilespmem:s21+$0x2850 ss:$0x81] =	vst.msk $0xffff, v61  }
0x20: {  	s15 =	sshll.u32 s31, $0x12;
	s18 =	sand.u32 $0x7F80, s18;
	[tilespmem:s21+$0x3060 ss:$0x81] =	vst.msk $0xffff, v62;
	s16 =	sadd.s32 s17, s16  }
0x21: {  	s15 =	sor.u32 $0x400, s15;
	[tilespmem:s21+$0x0 ss:$0x81] =	vst.msk $0xffff, v63;
	s16 =	sadd.s32 s18, s16  }
0x22: {  	[hbm4b:s16+s15] =	stream.strided.scatter [tilespmem:s20], [sflag:$0x2], $0x4000, s10, s15, $0x20;
	[tilespmem:$0x10100] =	vst v63  }
.LBB1_5:
0x23: {  	s20 =	sadd.s32 $0x1, s11  }
0x24: {  	s15 =	simm.s32 $0x1;
	p2 =	sgt.s32 s20, $0x2  }
0x25: {  	s15 =	simm.s32 @!p2 $0x0  }
0x26: {  	s21 =	sadd.s32 s15, s12  }
0x27: {  	s22 =	smov.u32 s13;
	s15 =	sadd.s32 $0x200, s13;
	p3 =	sgt.s32 s21, $0x1A  }
0x28: {  	p1 =	slt.u32 s14, $0x2;
	s22 =	smov.u32 @p3 s15  }
0x29: {  	s23 =	sadd.s32 $0x1, s14;
	s20 =	simm.s32 @p2 $0x0;
	p2 =	sgt.s32 s22, $0x1FF  }
0x2a: {  	s17 =	simm.s32 @!p1 $0x2;
	s22 =	smov.u32 @p2 s3;
	p2 =	sne.s32 s14, s9  }
.Ltmp1:
0x2b: {  	s16 =	smov.u32 s11;
	_ =	swait.ge @!p1 [sflag:s17], $0x4000;
	(pc) =	sbr.rel @!p2 .LBB1_6-.Ltmp1, $4  }
0x2c: {  	s19 =	smov.u32 s12;
	p0 =	por !p0, !p0;
	[sflag:s17] =	ssyncset.done @!p1 $0x0  }
0x2d: {  	s18 =	smov.u32 s5;
	s11 =	smov.u32 s20;
	[sflag:s17] =	ssyncadd.s32 @!p1 $0xFFFFC000  }
0x2e: {  	s17 =	smov.u32 s4;
	s21 =	simm.s32 @p3 $0x0;
	s15 =	smov.u32 s13  }
0x2f: {  	s12 =	smov.u32 s21;
	s14 =	smov.u32 s23;
	s13 =	smov.u32 s22  }
.LBB1_1:
0x30: {  	p1 =	sge.u32 s14, s7  }
0x31: {  	s20 =	smul.u32 @!p1 $0x2880, s13  }
0x32: {  	s21 =	sxor.u32 @!p1 $0xFFFFFFFF, s14;
	s22 =	smul.u32 @!p1 $0x180, s12  }
0x33: {  	s31 =	sadd.s32 $0xFFFFFFFF, s14;
	s21 =	sshll.u32 @!p1 s21, $0xE;
	s20 =	sadd.s32 @!p1 s20, s8  }
0x34: {  	s23 =	sshll.u32 @!p1 s11, $0x7;
	s21 =	sand.u32 @!p1 $0x4000, s21;
	s20 =	sadd.s32 @!p1 s22, s20  }
0x35: {  	s22 =	simm.s32 @!p1 $0x80;
	s20 =	sadd.s32 @!p1 s23, s20;
	s23 =	simm.s32 @!p1 $0x14400  }
0x36: {  	[tilespmem:s21], [sflag:$0x1] =	stream.strided.gather @!p1 [hbm4b:s20+s22], $0x4000, s23, s22, $0x38;
	[tilespmem:$0x10100] =	vst v63  }
0x37: {  	p1 =	sge.u32 s31, s7  }
.Ltmp2:
0x38: {  	_ = 	snop;
	(pc) =	sbr.rel @p1 .LBB1_5-.Ltmp2, $1  }
0x39: {  	_ =	sdelay $0x3  }
0x3a: {  	s20 =	simm.s32 $0x1  }
0x3b: {  	_ =	swait.ge [sflag:s6], $0x4000;
	s20 =	simm.s32 @!p0 $0x0  }
0x3c: {  	[sflag:s6] =	ssyncset.done $0x0;
	s21 =	sshll.u32 s20, $0xE  }
0x3d: {  	[sflag:s6] =	ssyncadd.s32 $0xFFFFC000;
	s23 =	sor.u32 $0x40, s21  }
0x3e: {  	s20 =	smul.u32 $0x10200, s20;
	v0 =	vld [tilespmem:s23+$0x30]  }
0x3f: {  	v3 =	vld [tilespmem:s23+$0xFFFFFFD0]  }
0x40: {  	s20 =	sshrl.u32 s20, $0x2;
	v4 =	vld [tilespmem:s23+$0xFFFFFFE0]  }
0x41: {  	v5 =	vld [tilespmem:s23+$0xFFFFFFF0];
	s21 =	sor.u32 $0x8000, s20  }
0x42: {  	s31 =	sand.u32 $0x1, s14;
	v1 =	vld [tilespmem:s23+$0x0];
	s22 =	sadd.s32 $0x0, s21  }
0x43: {  	v2 =	vld [tilespmem:s23+$0x10];
	s20 =	smul.u32 $0x10200, s31;
	[tilespmem:s22+$0x3870 ss:$0x81] =	vst.msk $0xffff, v0  }
0x44: {  	[tilespmem:s22+$0x810 ss:$0x81] =	vst.msk $0xffff, v3;
	v3 =	vld [tilespmem:s23+$0x20]  }
0x45: {  	s20 =	sshrl.u32 s20, $0x2;
	v0 =	vld [tilespmem:s23+$0xFFFFFFC0];
	[tilespmem:s22+$0x1020 ss:$0x81] =	vst.msk $0xffff, v4;
	s23 =	sadd.s32 $0x80, s23  }
0x46: {  	s24 =	simm.s32 $0x4;
	s25 =	simm.s32 $0x8;
	s20 =	sor.u32 $0x8000, s20;
	[tilespmem:s22+$0x1830 ss:$0x81] =	vst.msk $0xffff, v5;
	v4 =	vld [tilespmem:s23+$0x30]  }
.LBB1_3:
0x47: {  	p1 =	sne.s32 s25, $0x1FC;
	v5 =	vld [tilespmem:s23+$0xFFFFFFD0];
	[tilespmem:s22+$0x2040 ss:$0x81] =	vst.msk $0xffff, v1  }
0x48: {  	v6 =	vld [tilespmem:s23+$0xFFFFFFE0];
	[tilespmem:s22+$0x2850 ss:$0x81] =	vst.msk $0xffff, v2  }
0x49: {  	s26 =	sshra.s32 s24, $0x2;
	s24 =	smov.u32 s25;
	v7 =	vld [tilespmem:s23+$0xFFFFFFF0];
	[tilespmem:s22+$0x3060 ss:$0x81] =	vst.msk $0xffff, v3  }
.Ltmp3:
0x4a: {  	v1 =	vld [tilespmem:s23+$0x0];
	[tilespmem:s22+$0x0 ss:$0x81] =	vst.msk $0xffff, v0;
	s22 =	sadd.s32 s26, s21;
	(pc) =	sbr.rel @p1 .LBB1_3-.Ltmp3, $4  }
0x4b: {  	v2 =	vld [tilespmem:s23+$0x10];
	[tilespmem:s22+$0x3870 ss:$0x81] =	vst.msk $0xffff, v4  }
0x4c: {  	[tilespmem:s22+$0x810 ss:$0x81] =	vst.msk $0xffff, v5;
	v3 =	vld [tilespmem:s23+$0x20]  }
0x4d: {  	v0 =	vld [tilespmem:s23+$0xFFFFFFC0];
	[tilespmem:s22+$0x1020 ss:$0x81] =	vst.msk $0xffff, v6;
	s23 =	sadd.s32 $0x80, s23  }
0x4e: {  	s25 =	sadd.s32 $0x4, s25;
	v4 =	vld [tilespmem:s23+$0x30];
	[tilespmem:s22+$0x1830 ss:$0x81] =	vst.msk $0xffff, v7  }
.Ltmp4:
0x4f: {  	_ = 	snop;
	(pc) =	sbr.rel .LBB1_4-.Ltmp4, $1  }
0x50: {  	_ =	sdelay $0x3  }
.LBB1_6:
0x51: {  	_ =	sfence.sel $0x180000  }
0x52: {  	s2 =	simm.s32 $0x1;
	[bflag:$0x0] =	sbarrier.arrive $0xFFFF  }
0x53: {  	s31 =	simm.s32 $0x2;
	[sflag:s2] =	ssyncpa.u1 $0x1  }
0x54: {  	[sflag:s31] =	ssyncpa.u1 $0x1  }
0x55: {  	p0 =	sne.s32 s0, $0x0;
	_ =	strace $0x9000004A  }
0x56: {  	s0 =	sadd.s32 @!p0 $0x100000, s1;
	[bflag:$0x2] =	sbarrier.arrive $0xFFFF  }
0x57: {  	[sflag:s0] =	ssyncadd.tile.s32 @!p0 $0x1;
	_ =	shalt  }
.Lfunc_end1:
_tile_overlayer_lowered:
.L_overlay_start_2:
0x58: {  	(tag) =	ssettag $0x2  }
0x59: {  	s0 =	rddreg [dreg:$0x0];
	s2 =	stileid.u32  }
0x5a: {  	s1 =	rddreg [dreg:$0x1];
	p0 =	sne.s32 s2, $0x0  }
0x5b: {  	s3 =	rddreg [dreg:$0x2];
	[bflag:$0x3] =	sbarrier.arrive $0xFFFF;
	s2 =	simm.s32 @!p0 $0x1C01  }
0x5c: {  	[timem:s3], [sflag:s2] =	dma.local @!p0 [hbm:s0], s1  }
0x5d: {  	s0 =	simm.s32 @!p0 $0x1  }
0x5e: {  	_ =	swait.ge @!p0 [sflag:s0], s1  }
0x5f: {  	s1 =	ssub.s32 @!p0 $0x0, s1;
	[sflag:s0] =	ssyncset.done @!p0 $0x0  }
0x60: {  	[sflag:s0] =	ssyncadd.s32 @!p0 s1  }
0x61: {  	[bflag:$0x3] =	sbarrier.arrive $0xFFFF  }
0x62: {  	_ =	shalt  }

// kernel: sparse-core-data-format-call.cloned.1.call-start
scs
called_computation_lowered:
.L_overlay_start_0:
0x0: {  	s2 =	sld [smem:$0x3FD9]  }
0x1: {  	s3 =	sld [smem:$0x3FFE];
	_ =	sdelay $0x1  }
0x2: {  	s1 =	srdreg.scid  }
0x3: {  	s0 =	sand.u32 $0x1, s1  }
0x4: {  	s15 =	sshll.u32 s0, $0xA;
	s2 =	sadd.s32 s3, s2  }
0x5: {  	s2 =	sadd.s32 s2, s15  }
0x6: {  	[smem:$0x3FC4] =	sst s2  }
0x7: {  	_ = 	snop  }
0x8: {  	s2 =	sld [smem:$0x3FD0];
	_ =	sdelay $0x2  }
0x9: {  	s16 =	simm.s32 $0xB;
	s4 =	simm.s32 $0x10  }
0xa: {  	[smem:s4], [sflag:s16] =	dma.local [hbm:s2], $0x1  }
0xb: {  	_ =	swait.eq [sflag:s16], $0x1  }
0xc: {  	[sflag:s16] =	ssyncset.done $0x0  }
0xd: {  	[sflag:s16] =	ssyncadd.s32 $0xFFFFFFFF  }
0xe: {  	s17 =	sld [smem:$0x11];
	(tm) =	ssettm $0x1  }
0xf: {  	s18 =	sld [smem:$0x3FFB];
	_ =	sdelay $0x3  }
0x10: {  	_ =	strace s18  }
0x11: {  	s3 =	sld [smem:$0x3FFC];
	_ =	sdelay $0x3  }
0x12: {  	_ =	strace s3  }
0x13: {  	s3 =	sld [smem:$0x3FFD];
	_ =	sdelay $0x3  }
0x14: {  	_ =	strace s3  }
0x15: {  	_ =	strace $0x8FFFFFFF  }
0x16: {  	s19 =	sld [smem:$0x3FDB];
	_ =	sdelay $0x1  }
0x17: {  	s20 =	simm.s32 $_scs_section_size  }
0x18: {  	s5 =	simm.s32 $_size__tile_overlayer_lowered;
	s6 =	simm.s32 $_tile_overlayer_lowered  }
0x19: {  	s23 =	simm.s32 $0x1BFF;
	s22 =	sshll.u32 s6, $0x1;
	s3 =	sadd.s32 s20, s19  }
0x1a: {  	s7 =	simm.s32 $0x0;
	s21 =	sshll.u32 s5, $0x1;
	s5 =	sadd.s32 s22, s3  }
0x1b: {  	[timem:s7], [sflag:s23] =	dma.local [hbm:s5], s21  }
0x1c: {  	_ =	swait.ge [sflag:s23], s21  }
0x1d: {  	s4 =	ssub.s32 $0x0, s21;
	[sflag:s23] =	ssyncset.done $0x0  }
0x1e: {  	[sflag:s23] =	ssyncadd.s32 s4;
	_ =	sdelay $0x1  }
0x1f: {  	s24 =	simm.s32 $0x1B8B  }
0x20: {  	_ =	swait.ge [sflag:s24], $0x1  }
0x21: {  	[sflag:s24] =	ssyncset.done $0x0  }
0x22: {  	s26 =	simm.s32 $0x1B8E;
	s25 =	sld [smem:$0x3FFE];
	[sflag:s24] =	ssyncadd.s32 $0xFFFFFFFF  }
0x23: {  	s27 =	simm.s32 $execute0_lowered;
	[smem:$0x3FD2] =	sst s26  }
0x24: {  	s5 =	sshll.u32 s27, $0x1;
	_ =	strace $0x80000046;
	[dreg:$0x1] =	wrdreg $0xFFFFFFFF  }
0x25: {  	s28 =	simm.s32 $_size_execute0_lowered;
	s3 =	sadd.s32 s3, s5;
	[dreg:$0x0] =	wrdreg $0x0  }
0x26: {  	s5 =	sshll.u32 s28, $0x1;
	[dreg:$0x2] =	wrdreg s3  }
0x27: {  	[dreg:$0x3] =	wrdreg s5  }
0x28: {  	[dreg:$0x4] =	wrdreg $0xC0  }
0x29: {  	_ =	task [dreg:s7], $0x5FFFF  }
0x2a: {  	[dreg:$0x1] =	wrdreg $0xFFFFFFFF  }
0x2b: {  	[dreg:$0x0] =	wrdreg $0x60  }
0x2c: {  	[dreg:$0x2] =	wrdreg s25  }
0x2d: {  	[dreg:$0x3] =	wrdreg s17  }
0x2e: {  	[dreg:$0x4] =	wrdreg $0x9  }
0x2f: {  	_ =	task.clear_ibuf [dreg:s7], $0x5FFFF;
	_ =	strace $0x90000046  }
0x30: {  	s29 =	simm.s32 $0x9;
	_ =	strace $0x80000048  }
0x31: {  	_ =	swait.ge [sflag:s29], $0x1  }
0x32: {  	[sflag:s29] =	ssyncadd.s32 $0xFFFFFFFF  }
0x33: {  	_ =	strace $0x90000048  }
0x34: {  	_ =	sfence  }
0x35: {  	s30 =	sld [smem:$0x0];
	_ =	sdelay $0x2  }
0x36: {  	s31 =	sshll.u32 s1, $0xD;
	s1 =	sshrl.u32 s1, $0x2  }
0x37: {  	s3 =	sand.u32 $0x4000, s31;
	s1 =	sadd.s32 s1, s30  }
0x38: {  	s0 =	sor.u32 s3, s0;
	s1 =	sshll.u32 s1, $0x11  }
0x39: {  	s0 =	sor.u32 s1, s0  }
0x3a: {  	s0 =	sadd.s32 $0x8F2B, s0  }
0x3b: {  	[sflag:s0] =	ssyncadd.remote.s32 $0x1  }
0x3c: {  	_ =	sfence.sel $0xFFFF  }
0x3d: {  	[dreg:$0x0] =	wrdreg $0xFFFFFFFF;
	(pc) =	sbr.abs _section_cstart, $3  }
0x3e: {  	[dreg:$0x1] =	wrdreg $0xFFFFFFFF  }
0x3f: {  	_ =	task.clear_ibuf [dreg:s7], $0x2FFFF;
	_ =	strace $0x9FFFFFFF  }
0x40: {  	(tm) =	ssettm $0x7FFFFFFF  }
0x41: {  	_ =	shalt  }
tec
execute0_lowered:
.L_overlay_start_1:
0x0: {  	(tag) =	ssettag $0x1  }
0x1: {  	s8 =	rddreg [dreg:$0x0]  }
0x2: {  	s0 =	stileid.u32;
	s2 =	rddreg [dreg:$0x1]  }
0x3: {  	s1 =	rddreg [dreg:$0x2];
	s7 =	srdreg.scid  }
0x4: {  	_ =	strace $0x80000047;
	s28 =	simm.s32 $0x2;
	s17 =	simm.s32 $0x0  }
0x5: {  	s16 =	simm.s32 $0x0;
	s3 =	sshll.u32 s0, $0x7;
	s4 =	sshrl.u32 s0, $0x2  }
0x6: {  	s5 =	sshll.u32 s0, $0x4;
	s9 =	sshll.u32 s7, $0x8;
	s3 =	sand.u32 $0x180, s3  }
0x7: {  	s4 =	sand.u32 $0x1, s4;
	s5 =	sor.u32 s5, s9;
	s6 =	ssub.s32 $0x200, s3  }
0x8: {  	s9 =	simm.s32 $0x1;
	s5 =	sand.u32 $0x180, s5;
	s10 =	sand.u32 $0x180, s6  }
0x9: {  	s26 =	ssub.s32 $0x2, s4;
	s6 =	sshrl.u32 s6, $0x9;
	p0 =	sne.s32 s10, $0x0  }
0xa: {  	s27 =	ssub.s32 $0x200, s5;
	s11 =	sshrl.u32 s26, $0x1;
	s9 =	simm.s32 @!p0 $0x0  }
0xb: {  	s12 =	sand.u32 $0x180, s27;
	s6 =	sadd.s32 s9, s6;
	s9 =	sand.u32 $0x1, s26  }
0xc: {  	p0 =	sne.s32 s12, $0x0;
	s9 =	sadd.s32 s9, s11;
	s11 =	simm.s32 $0x1  }
0xd: {  	s10 =	sshrl.u32 s27, $0x9;
	s11 =	simm.s32 @!p0 $0x0;
	s9 =	smul.u32 s6, s9  }
0xe: {  	s15 =	simm.s32 $0x0;
	s7 =	sshll.u32 s7, $0x6;
	s10 =	sadd.s32 s11, s10  }
0xf: {  	s29 =	sshll.u32 s0, $0x2;
	s30 =	sand.u32 $0x40, s7;
	s9 =	smul.u32 s10, s9  }
.Ltmp0:
0x10: {  	s31 =	sand.u32 $0x30, s29;
	s8 =	sadd.s32 s8, s30;
	(pc) =	sbr.rel .LBB1_1-.Ltmp0, $4  }
0x11: {  	s14 =	simm.s32 $0x0;
	s13 =	simm.s32 $0x0;
	s8 =	sadd.s32 s31, s8  }
0x12: {  	s12 =	smov.u32 s3;
	s6 =	simm.s32 $0x1;
	s7 =	smul.u32 $0x1B, s9  }
0x13: {  	p0 =	por $0x0, $0x0;
	[sflag:s6] =	ssyncpa.u1 $0x0;
	s11 =	simm.s32 $0x0  }
0x14: {  	[sflag:s28] =	ssyncpa.u1 $0x0;
	s10 =	simm.s32 $0x1000;
	s9 =	sadd.s32 $0x1, s7  }
.LBB1_4:
0x15: {  	v5 =	vld [tilespmem:s21+$0xFFFFFFD0];
	[tilespmem:s20+$0x2040 ss:$0x81] =	vst.msk $0xffff, v1  }
0x16: {  	v58 =	vld [tilespmem:s21+$0xFFFFFFE0];
	[tilespmem:s20+$0x2850 ss:$0x81] =	vst.msk $0xffff, v2  }
0x17: {  	s22 =	sshra.s32 s22, $0x2;
	v59 =	vld [tilespmem:s21+$0xFFFFFFF0];
	[tilespmem:s20+$0x3060 ss:$0x81] =	vst.msk $0xffff, v3  }
0x18: {  	v60 =	vld [tilespmem:s21+$0x0];
	[tilespmem:s20+$0x0 ss:$0x81] =	vst.msk $0xffff, v0;
	s19 =	sadd.s32 s22, s19  }
0x19: {  	v61 =	vld [tilespmem:s21+$0x10];
	[tilespmem:s19+$0x3870 ss:$0x81] =	vst.msk $0xffff, v4  }
0x1a: {  	v62 =	vld [tilespmem:s21+$0x20];
	[tilespmem:s19+$0x810 ss:$0x81] =	vst.msk $0xffff, v5  }
0x1b: {  	v63 =	vld [tilespmem:s21+$0xFFFFFFC0];
	s17 =	sshll.u32 s17, $0x6;
	[tilespmem:s19+$0x1020 ss:$0x81] =	vst.msk $0xffff, v58  }
0x1c: {  	s29 =	sand.u32 $0x7F80, s14;
	s15 =	sshll.u32 s15, $0xF;
	s30 =	sshrl.u32 s14, $0x3;
	[tilespmem:s19+$0x1830 ss:$0x81] =	vst.msk $0xffff, v59  }
0x1d: {  	s16 =	smul.u32 $0xD8000, s16;
	s21 =	sand.u32 $0xF, s30;
	s15 =	sadd.s32 s2, s15;
	[tilespmem:s19+$0x2040 ss:$0x81] =	vst.msk $0xffff, v60  }
0x1e: {  	s31 =	sand.u32 $0x7, s14;
	s17 =	sadd.s32 s29, s17;
	s15 =	sadd.s32 s21, s15;
	[tilespmem:s19+$0x2850 ss:$0x81] =	vst.msk $0xffff, v61  }
0x1f: {  	s14 =	sshll.u32 s31, $0x12;
	s17 =	sand.u32 $0x7F80, s17;
	s15 =	sadd.s32 s16, s15;
	[tilespmem:s19+$0x3060 ss:$0x81] =	vst.msk $0xffff, v62  }
0x20: {  	s14 =	sor.u32 $0x400, s14;
	s15 =	sadd.s32 s17, s15;
	[tilespmem:s19+$0x0 ss:$0x81] =	vst.msk $0xffff, v63  }
0x21: {  	[hbm4b:s15+s14] =	stream.strided.scatter [tilespmem:s18], [sflag:$0x2], $0x4000, s10, s14, $0x20;
	[tilespmem:$0x10100] =	vst v63  }
.LBB1_5:
0x22: {  	s18 =	sadd.s32 $0x1, s11  }
0x23: {  	s14 =	sadd.s32 $0x200, s12;
	s19 =	smov.u32 s12;
	p2 =	sgt.s32 s18, $0x1A  }
0x24: {  	s19 =	smov.u32 @p2 s14  }
0x25: {  	s18 =	simm.s32 @p2 $0x0;
	p2 =	sgt.s32 s19, $0x1FF  }
0x26: {  	p1 =	slt.u32 s13, $0x2;
	s19 =	smov.u32 @p2 s3;
	p2 =	sne.s32 s13, s9  }
.Ltmp1:
0x27: {  	s16 =	simm.s32 @!p1 $0x2;
	(pc) =	sbr.rel @!p2 .LBB1_6-.Ltmp1, $4  }
0x28: {  	s20 =	sadd.s32 $0x1, s13;
	s15 =	smov.u32 s11;
	_ =	swait.ge @!p1 [sflag:s16], $0x4000  }
0x29: {  	p0 =	por !p0, !p0;
	s17 =	smov.u32 s5;
	[sflag:s16] =	ssyncset.done @!p1 $0x0  }
0x2a: {  	s14 =	smov.u32 s12;
	s11 =	smov.u32 s18;
	[sflag:s16] =	ssyncadd.s32 @!p1 $0xFFFFC000  }
0x2b: {  	s16 =	smov.u32 s4;
	s13 =	smov.u32 s20;
	s12 =	smov.u32 s19  }
.LBB1_1:
0x2c: {  	p1 =	sge.u32 s13, s7  }
0x2d: {  	s19 =	smul.u32 @!p1 $0xD80, s12  }
0x2e: {  	s31 =	sadd.s32 $0xFFFFFFFF, s13;
	s18 =	sxor.u32 @!p1 $0xFFFFFFFF, s13;
	s20 =	sshll.u32 @!p1 s11, $0x7  }
0x2f: {  	s21 =	simm.s32 @!p1 $0x6C00;
	s18 =	sshll.u32 @!p1 s18, $0xE;
	s19 =	sadd.s32 @!p1 s19, s8  }
0x30: {  	s18 =	sand.u32 @!p1 $0x4000, s18;
	s19 =	sadd.s32 @!p1 s20, s19;
	s20 =	simm.s32 @!p1 $0x80  }
0x31: {  	[tilespmem:s18], [sflag:$0x1] =	stream.strided.gather @!p1 [hbm4b:s19+s20], $0x4000, s21, s20, $0x38;
	[tilespmem:$0x10100] =	vst v63  }
0x32: {  	p1 =	sge.u32 s31, s7  }
.Ltmp2:
0x33: {  	_ = 	snop;
	(pc) =	sbr.rel @p1 .LBB1_5-.Ltmp2, $1  }
0x34: {  	_ =	sdelay $0x3  }
0x35: {  	s18 =	simm.s32 $0x1  }
0x36: {  	_ =	swait.ge [sflag:s6], $0x4000;
	s18 =	simm.s32 @!p0 $0x0  }
0x37: {  	[sflag:s6] =	ssyncset.done $0x0;
	s19 =	sshll.u32 s18, $0xE  }
0x38: {  	[sflag:s6] =	ssyncadd.s32 $0xFFFFC000;
	s21 =	sor.u32 $0x40, s19  }
0x39: {  	s18 =	smul.u32 $0x10200, s18;
	v0 =	vld [tilespmem:s21+$0x30]  }
0x3a: {  	v3 =	vld [tilespmem:s21+$0xFFFFFFD0]  }
0x3b: {  	s18 =	sshrl.u32 s18, $0x2;
	v4 =	vld [tilespmem:s21+$0xFFFFFFE0]  }
0x3c: {  	v5 =	vld [tilespmem:s21+$0xFFFFFFF0];
	s19 =	sor.u32 $0x8000, s18  }
0x3d: {  	s31 =	sand.u32 $0x1, s13;
	v1 =	vld [tilespmem:s21+$0x0];
	s20 =	sadd.s32 $0x0, s19  }
0x3e: {  	v2 =	vld [tilespmem:s21+$0x10];
	s18 =	smul.u32 $0x10200, s31;
	[tilespmem:s20+$0x3870 ss:$0x81] =	vst.msk $0xffff, v0  }
0x3f: {  	[tilespmem:s20+$0x810 ss:$0x81] =	vst.msk $0xffff, v3;
	v3 =	vld [tilespmem:s21+$0x20]  }
0x40: {  	s18 =	sshrl.u32 s18, $0x2;
	v0 =	vld [tilespmem:s21+$0xFFFFFFC0];
	[tilespmem:s20+$0x1020 ss:$0x81] =	vst.msk $0xffff, v4;
	s21 =	sadd.s32 $0x80, s21  }
0x41: {  	s22 =	simm.s32 $0x4;
	s23 =	simm.s32 $0x8;
	s18 =	sor.u32 $0x8000, s18;
	[tilespmem:s20+$0x1830 ss:$0x81] =	vst.msk $0xffff, v5;
	v4 =	vld [tilespmem:s21+$0x30]  }
.LBB1_3:
0x42: {  	p1 =	sne.s32 s23, $0x1FC;
	v5 =	vld [tilespmem:s21+$0xFFFFFFD0];
	[tilespmem:s20+$0x2040 ss:$0x81] =	vst.msk $0xffff, v1  }
0x43: {  	v6 =	vld [tilespmem:s21+$0xFFFFFFE0];
	[tilespmem:s20+$0x2850 ss:$0x81] =	vst.msk $0xffff, v2  }
0x44: {  	s24 =	sshra.s32 s22, $0x2;
	s22 =	smov.u32 s23;
	v7 =	vld [tilespmem:s21+$0xFFFFFFF0];
	[tilespmem:s20+$0x3060 ss:$0x81] =	vst.msk $0xffff, v3  }
.Ltmp3:
0x45: {  	v1 =	vld [tilespmem:s21+$0x0];
	[tilespmem:s20+$0x0 ss:$0x81] =	vst.msk $0xffff, v0;
	s20 =	sadd.s32 s24, s19;
	(pc) =	sbr.rel @p1 .LBB1_3-.Ltmp3, $4  }
0x46: {  	v2 =	vld [tilespmem:s21+$0x10];
	[tilespmem:s20+$0x3870 ss:$0x81] =	vst.msk $0xffff, v4  }
0x47: {  	[tilespmem:s20+$0x810 ss:$0x81] =	vst.msk $0xffff, v5;
	v3 =	vld [tilespmem:s21+$0x20]  }
0x48: {  	v0 =	vld [tilespmem:s21+$0xFFFFFFC0];
	[tilespmem:s20+$0x1020 ss:$0x81] =	vst.msk $0xffff, v6;
	s21 =	sadd.s32 $0x80, s21  }
0x49: {  	s23 =	sadd.s32 $0x4, s23;
	v4 =	vld [tilespmem:s21+$0x30];
	[tilespmem:s20+$0x1830 ss:$0x81] =	vst.msk $0xffff, v7  }
.Ltmp4:
0x4a: {  	_ = 	snop;
	(pc) =	sbr.rel .LBB1_4-.Ltmp4, $1  }
0x4b: {  	_ =	sdelay $0x3  }
.LBB1_6:
0x4c: {  	_ =	sfence.sel $0x180000  }
0x4d: {  	s2 =	simm.s32 $0x1;
	[bflag:$0x0] =	sbarrier.arrive $0xFFFF  }
0x4e: {  	s31 =	simm.s32 $0x2;
	[sflag:s2] =	ssyncpa.u1 $0x1  }
0x4f: {  	[sflag:s31] =	ssyncpa.u1 $0x1  }
0x50: {  	p0 =	sne.s32 s0, $0x0;
	_ =	strace $0x90000047  }
0x51: {  	s0 =	sadd.s32 @!p0 $0x100000, s1;
	[bflag:$0x2] =	sbarrier.arrive $0xFFFF  }
0x52: {  	[sflag:s0] =	ssyncadd.tile.s32 @!p0 $0x1;
	_ =	shalt  }
.Lfunc_end1:
_tile_overlayer_lowered:
.L_overlay_start_2:
0x53: {  	(tag) =	ssettag $0x2  }
0x54: {  	s0 =	rddreg [dreg:$0x0];
	s2 =	stileid.u32  }
0x55: {  	s1 =	rddreg [dreg:$0x1];
	p0 =	sne.s32 s2, $0x0  }
0x56: {  	s3 =	rddreg [dreg:$0x2];
	[bflag:$0x3] =	sbarrier.arrive $0xFFFF;
	s2 =	simm.s32 @!p0 $0x1C01  }
0x57: {  	[timem:s3], [sflag:s2] =	dma.local @!p0 [hbm:s0], s1  }
0x58: {  	s0 =	simm.s32 @!p0 $0x1  }
0x59: {  	_ =	swait.ge @!p0 [sflag:s0], s1  }
0x5a: {  	s1 =	ssub.s32 @!p0 $0x0, s1;
	[sflag:s0] =	ssyncset.done @!p0 $0x0  }
0x5b: {  	[sflag:s0] =	ssyncadd.s32 @!p0 s1  }
0x5c: {  	[bflag:$0x3] =	sbarrier.arrive $0xFFFF  }
0x5d: {  	_ =	shalt  }

</sc_bundles>
